<compile_context>
chip_gen: v7x
topology: tpu7x:2x2x1
jax: 0.10.2.dev20260603
libtpu: 0.0.44.dev20260713+nightly
codegen_flags: <defaults>
</compile_context>

<pallas_src>
import functools

import jax
import jax.numpy as jnp
from jax import lax
from jax.experimental import pallas as pl
from jax.experimental.pallas import tpu as pltpu
from jax.experimental.pallas import tpu_sc as plsc

_N_TOK = 8192
_N_EMB = 8192
_DIM = 32
_T_BLK = 2048
_E_CHK = 2048
_COMMIT = 0.25

_NC, _NS = 2, 16
_NW = _NC * _NS
_BPW = _N_TOK // _NW
_ICH = 128
_KCH = _BPW // _ICH


def _dist_argmin_body(esq_ref, z_ref, emb_ref, idx_ref, loss_ref):
    pid = pl.program_id(0)
    zb = z_ref[...]
    zsq = jnp.sum(zb * zb, axis=1)

    m_cmp = jnp.full((_T_BLK,), jnp.inf, jnp.float32)
    m_val = jnp.zeros((_T_BLK,), jnp.float32)
    am = jnp.zeros((_T_BLK,), jnp.int32)
    ii = lax.broadcasted_iota(jnp.int32, (_T_BLK, _E_CHK), 1)
    for c in range(_N_EMB // _E_CHK):
        eb = emb_ref[pl.ds(c * _E_CHK, _E_CHK), :]
        sb = esq_ref[0, pl.ds(c * _E_CHK, _E_CHK)]
        prod = lax.dot_general(zb, eb, (((1,), (1,)), ((), ())),
                               preferred_element_type=jnp.float32)
        d = (zsq[:, None] + sb[None, :]) - 2.0 * prod
        cm = jnp.min(d, axis=1)
        cam = jnp.min(jnp.where(d == cm[:, None], ii, _N_EMB), axis=1)
        take = cm < m_cmp
        m_val = jnp.where(take, cm, m_val)
        am = jnp.where(take, cam + c * _E_CHK, am)
        m_cmp = jnp.where(take, cm, m_cmp).astype(jnp.bfloat16).astype(
            jnp.float32)

    idx_ref[0, 0, :] = am

    @pl.when(pid == 0)
    def _():
        loss_ref[0, 0] = 0.0

    loss_ref[0, 0] += jnp.sum(m_val)


def _tc_dist_argmin(z_flat, esq, embedding):
    grid = (_N_TOK // _T_BLK,)
    return pl.pallas_call(
        _dist_argmin_body,
        grid=grid,
        in_specs=[
            pl.BlockSpec((1, _N_EMB), lambda i: (0, 0)),
            pl.BlockSpec((_T_BLK, _DIM), lambda i: (i, 0)),
            pl.BlockSpec((_N_EMB, _DIM), lambda i: (0, 0)),
        ],
        out_specs=[
            pl.BlockSpec((1, 1, _T_BLK), lambda i: (i, 0, 0)),
            pl.BlockSpec((1, 1), lambda i: (0, 0),
                         memory_space=pltpu.SMEM),
        ],
        out_shape=[
            jax.ShapeDtypeStruct((grid[0], 1, _T_BLK), jnp.int32),
            jax.ShapeDtypeStruct((1, 1), jnp.float32),
        ],
        compiler_params=pltpu.CompilerParams(
            dimension_semantics=("arbitrary",)),
    )(esq, z_flat, embedding)


def _sc_gather_body(emb_hbm, idx_hbm, zraw_hbm, out_hbm,
                    idx_v, rows_v, zrows_v, sem):
    wid = lax.axis_index("s") * _NC + lax.axis_index("c")
    base = wid * _BPW
    pltpu.sync_copy(idx_hbm.at[pl.ds(wid * _KCH, _KCH)], idx_v)
    pltpu.sync_copy(zraw_hbm.at[pl.ds(base, _BPW)], zrows_v)
    for j in range(_KCH):
        pltpu.async_copy(emb_hbm.at[idx_v.at[j]],
                         rows_v.at[pl.ds(j * _ICH, _ICH)], sem).wait()

    def row(t, carry):
        for h in range(_DIM // 16):
            q = rows_v[t, pl.ds(h * 16, 16)]
            zv = zrows_v[t, pl.ds(h * 16, 16)]
            rows_v[t, pl.ds(h * 16, 16)] = zv + (q - zv)
        return carry

    lax.fori_loop(0, _BPW, row, 0)
    pltpu.sync_copy(rows_v, out_hbm.at[pl.ds(base, _BPW)])


def _sc_gather(embedding, idx2d, zraw):
    mesh = plsc.VectorSubcoreMesh(core_axis_name="c", subcore_axis_name="s")
    k = functools.partial(
        pl.kernel,
        out_type=jax.ShapeDtypeStruct((_N_TOK, _DIM), jnp.float32),
        mesh=mesh,
        scratch_types=[
            pltpu.VMEM((_KCH, _ICH), jnp.int32),
            pltpu.VMEM((_BPW, _DIM), jnp.float32),
            pltpu.VMEM((_BPW, _DIM), jnp.float32),
            pltpu.SemaphoreType.DMA,
        ],
        compiler_params=pltpu.CompilerParams(use_tc_tiling_on_sc=False),
    )(_sc_gather_body)
    return k(embedding, idx2d, zraw)


def kernel(z, embedding):
    B, C, H, W = z.shape
    z_flat = jnp.transpose(z, (0, 2, 3, 1)).reshape(-1, C)
    esq = jnp.sum(embedding ** 2, axis=1).reshape(1, _N_EMB)

    idx3d, loss_sum = _tc_dist_argmin(z_flat, esq, embedding)

    idx2d = idx3d.reshape(_N_TOK // _ICH, _ICH)
    zraw = z.reshape(_N_TOK, _DIM)
    quantized_flat = _sc_gather(embedding, idx2d, zraw)

    quantized = quantized_flat.reshape(z.shape)
    loss = loss_sum[0, 0] * ((1.0 + _COMMIT) / (_N_TOK * _DIM))
    encoding_indices = idx3d.reshape(B, H, W)
    return (quantized, loss, encoding_indices)

# --- scband reference (transcript-rebuilt; emitter-appended) ---
"""Pipeline reference for scband-vector-quantizer-14181982011911 (READ-ONLY COPY).

The authoritative reference and input builder live on the scoring server;
editing this copy changes nothing except your own understanding.
"""

import jax, jax.numpy as jnp
import numpy as np

NUM_EMBEDDINGS = 8192
EMBEDDING_DIM = 32
COMMITMENT_COST = 0.25


def setup_inputs(seed: int = 0) -> dict:
    key = jax.random.key(seed)
    k1, k2 = jax.random.split(key)
    z = jax.random.normal(k1, (8, EMBEDDING_DIM, 32, 32), dtype=jnp.float32)
    embedding = jax.random.uniform(
        k2, (NUM_EMBEDDINGS, EMBEDDING_DIM), dtype=jnp.float32,
        minval=-1.0 / NUM_EMBEDDINGS, maxval=1.0 / NUM_EMBEDDINGS)
    return {"z": z, "embedding": embedding}


def reference(z, embedding):
    B, C, H, W = z.shape
    z_flat = jnp.transpose(z, (0, 2, 3, 1)).reshape(-1, C)
    distances = (jnp.sum(z_flat ** 2, axis=1, keepdims=True)
                 + jnp.sum(embedding ** 2, axis=1)
                 - 2.0 * (z_flat @ embedding.T))
    encoding_indices = jnp.argmin(distances, axis=1)
    quantized_flat = jnp.take(embedding, encoding_indices, axis=0)
    e_latent_loss = jnp.mean((jax.lax.stop_gradient(quantized_flat) - z_flat) ** 2)
    q_latent_loss = jnp.mean((quantized_flat - jax.lax.stop_gradient(z_flat)) ** 2)
    loss = q_latent_loss + COMMITMENT_COST * e_latent_loss
    # Faithful to torch: quantized_flat.view_as(z) is a pure reshape (no permute back)
    quantized = z + jax.lax.stop_gradient(quantized_flat.reshape(z.shape) - z)
    encoding_indices = encoding_indices.reshape(B, H, W)
    return (quantized, loss, encoding_indices)

if __name__ == "__main__":
    import jax
    _d = setup_inputs()
    print(jax.jit(kernel)(*tuple(_d.values())))

</pallas_src>

<mosaic_0001>
#map = affine_map<(d0, d1) -> (0, 0)>
module attributes {stable_mosaic.version = 14 : i64} {
  func.func @_sc_gather_body(%arg0: i32, %arg1: i32, %arg2: memref<8192x32xf32, #tpu.memory_space<hbm>>, %arg3: memref<64x128xi32, #tpu.memory_space<hbm>>, %arg4: memref<8192x32xf32, #tpu.memory_space<hbm>>, %arg5: memref<8192x32xf32, #tpu.memory_space<hbm>>, %arg6: memref<2x128xi32, #tpu.memory_space<vmem>>, %arg7: memref<256x32xf32, #tpu.memory_space<vmem>>, %arg8: memref<256x32xf32, #tpu.memory_space<vmem>>, %arg9: memref<!tpu.dma_semaphore, #tpu.memory_space<semaphore_mem>>) attributes {dimension_semantics = [#tpu.dimension_semantics<core_parallel>, #tpu.dimension_semantics<subcore_parallel>], iteration_bounds = array<i64: 2, 16>, scalar_prefetch = 0 : i64, scratch_operands = 4 : i64, tpu.core_type = #tpu.core_type<sc_vector_subcore>, window_params = [{transform_indices = #map}, {transform_indices = #map}, {transform_indices = #map}, {transform_indices = #map}]} {
    %mul3A = arith.constant 2 : i32
    %mul3A_0 = arith.muli %arg1, %mul3A : i32
    %add3A = arith.addi %mul3A_0, %arg0 : i32
    %mul3A_1 = arith.constant 256 : i32
    %mul3A_2 = arith.muli %add3A, %mul3A_1 : i32
    %mul3A_3 = arith.constant 2 : i32
    %mul3A_4 = arith.muli %add3A, %mul3A_3 : i32
    "tpu.region"() ({
      %run_scoped3A = tpu.sem_alloc : memref<!tpu.dma_semaphore, #tpu.memory_space<semaphore_mem>>
      %dma_start3A_48 = arith.constant 0 : i32
      %dma_start3A_49 = tpu.memref_slice %arg3[%mul3A_4, %dma_start3A_48] : memref<64x128xi32, #tpu.memory_space<hbm>> -> memref<2x128xi32, #tpu.memory_space<hbm>>
      %dma_start3A_50 = arith.constant 0 : i32
      %dma_start3A_51 = tpu.memref_slice %arg3[%mul3A_4, %dma_start3A_50] : memref<64x128xi32, #tpu.memory_space<hbm>> -> memref<2x128xi32, #tpu.memory_space<hbm>>
      tpu.enqueue_dma source(%dma_start3A_51 : memref<2x128xi32, #tpu.memory_space<hbm>>) target(%arg6 : memref<2x128xi32, #tpu.memory_space<vmem>>) target_semaphore(%run_scoped3A : memref<!tpu.dma_semaphore, #tpu.memory_space<semaphore_mem>>)
      %dma_wait3A_52 = arith.constant 0 : i32
      %dma_wait3A_53 = tpu.memref_slice %arg3[%mul3A_4, %dma_wait3A_52] : memref<64x128xi32, #tpu.memory_space<hbm>> -> memref<2x128xi32, #tpu.memory_space<hbm>>
      %dma_wait3A_54 = arith.constant 0 : i32
      %dma_wait3A_55 = tpu.memref_slice %arg3[%mul3A_4, %dma_wait3A_54] : memref<64x128xi32, #tpu.memory_space<hbm>> -> memref<2x128xi32, #tpu.memory_space<hbm>>
      tpu.wait_dma2 semaphore(%run_scoped3A : memref<!tpu.dma_semaphore, #tpu.memory_space<semaphore_mem>>) src(%dma_wait3A_55 : memref<2x128xi32, #tpu.memory_space<hbm>>) dst(%arg6 : memref<2x128xi32, #tpu.memory_space<vmem>>)
      tpu.yield
    }) : () -> ()
    "tpu.region"() ({
      %run_scoped3A = tpu.sem_alloc : memref<!tpu.dma_semaphore, #tpu.memory_space<semaphore_mem>>
      %dma_start3A_48 = arith.constant 0 : i32
      %dma_start3A_49 = tpu.memref_slice %arg4[%mul3A_2, %dma_start3A_48] : memref<8192x32xf32, #tpu.memory_space<hbm>> -> memref<256x32xf32, #tpu.memory_space<hbm>>
      %dma_start3A_50 = arith.constant 0 : i32
      %dma_start3A_51 = tpu.memref_slice %arg4[%mul3A_2, %dma_start3A_50] : memref<8192x32xf32, #tpu.memory_space<hbm>> -> memref<256x32xf32, #tpu.memory_space<hbm>>
      tpu.enqueue_dma source(%dma_start3A_51 : memref<256x32xf32, #tpu.memory_space<hbm>>) target(%arg8 : memref<256x32xf32, #tpu.memory_space<vmem>>) target_semaphore(%run_scoped3A : memref<!tpu.dma_semaphore, #tpu.memory_space<semaphore_mem>>)
      %dma_wait3A_52 = arith.constant 0 : i32
      %dma_wait3A_53 = tpu.memref_slice %arg4[%mul3A_2, %dma_wait3A_52] : memref<8192x32xf32, #tpu.memory_space<hbm>> -> memref<256x32xf32, #tpu.memory_space<hbm>>
      %dma_wait3A_54 = arith.constant 0 : i32
      %dma_wait3A_55 = tpu.memref_slice %arg4[%mul3A_2, %dma_wait3A_54] : memref<8192x32xf32, #tpu.memory_space<hbm>> -> memref<256x32xf32, #tpu.memory_space<hbm>>
      tpu.wait_dma2 semaphore(%run_scoped3A : memref<!tpu.dma_semaphore, #tpu.memory_space<semaphore_mem>>) src(%dma_wait3A_55 : memref<256x32xf32, #tpu.memory_space<hbm>>) dst(%arg8 : memref<256x32xf32, #tpu.memory_space<vmem>>)
      tpu.yield
    }) : () -> ()
    %dma_start3A = arith.constant 0 : i32
    %dma_start3A_5 = arith.constant 0 : i32
    %dma_start3A_6 = arith.constant 0 : i32
    %dma_start3A_7 = tpu.memref_slice %arg7[%dma_start3A_5, %dma_start3A_6] : memref<256x32xf32, #tpu.memory_space<vmem>> -> memref<128x32xf32, #tpu.memory_space<vmem>>
    %dma_start3A_8 = arith.constant 0 : i32
    %dma_start3A_9 = tpu.memref_slice %arg6[%dma_start3A, %dma_start3A_8] : memref<2x128xi32, #tpu.memory_space<vmem>> -> memref<1x128xi32, #tpu.memory_space<vmem>>
    %dma_start3A_10 = tpu.memref_squeeze %dma_start3A_9 : memref<1x128xi32, #tpu.memory_space<vmem>> -> memref<128xi32, #tpu.memory_space<vmem>>
    %dma_start3A_11 = arith.constant 0 : i32
    %dma_start3A_12 = arith.constant 0 : i32
    %dma_start3A_13 = tpu.memref_slice %arg2[%dma_start3A_11, %dma_start3A_12] : memref<8192x32xf32, #tpu.memory_space<hbm>> -> memref<8192x32xf32, #tpu.memory_space<hbm>>
    tpu.enqueue_indirect_dma source(%dma_start3A_13 : memref<8192x32xf32, #tpu.memory_space<hbm>>) target(%dma_start3A_7 : memref<128x32xf32, #tpu.memory_space<vmem>>) offsets(%dma_start3A_10 : memref<128xi32, #tpu.memory_space<vmem>>) semaphore(%arg9 : memref<!tpu.dma_semaphore, #tpu.memory_space<semaphore_mem>>)
    %dma_wait3A = arith.constant 0 : i32
    %dma_wait3A_14 = arith.constant 0 : i32
    %dma_wait3A_15 = arith.constant 0 : i32
    %dma_wait3A_16 = tpu.memref_slice %arg7[%dma_wait3A_14, %dma_wait3A_15] : memref<256x32xf32, #tpu.memory_space<vmem>> -> memref<128x32xf32, #tpu.memory_space<vmem>>
    %dma_wait3A_17 = arith.constant 0 : i32
    %dma_wait3A_18 = tpu.memref_slice %arg6[%dma_wait3A, %dma_wait3A_17] : memref<2x128xi32, #tpu.memory_space<vmem>> -> memref<1x128xi32, #tpu.memory_space<vmem>>
    %dma_wait3A_19 = tpu.memref_squeeze %dma_wait3A_18 : memref<1x128xi32, #tpu.memory_space<vmem>> -> memref<128xi32, #tpu.memory_space<vmem>>
    %dma_wait3A_20 = arith.constant 0 : i32
    %dma_wait3A_21 = arith.constant 0 : i32
    %dma_wait3A_22 = tpu.memref_slice %arg2[%dma_wait3A_20, %dma_wait3A_21] : memref<8192x32xf32, #tpu.memory_space<hbm>> -> memref<8192x32xf32, #tpu.memory_space<hbm>>
    tpu.wait_indirect_dma semaphore(%arg9 : memref<!tpu.dma_semaphore, #tpu.memory_space<semaphore_mem>>) src(%dma_wait3A_22 : memref<8192x32xf32, #tpu.memory_space<hbm>>) dst(%dma_wait3A_16 : memref<128x32xf32, #tpu.memory_space<vmem>>)
    %dma_start3A_23 = arith.constant 1 : i32
    %dma_start3A_24 = arith.constant 128 : i32
    %dma_start3A_25 = arith.constant 0 : i32
    %dma_start3A_26 = tpu.memref_slice %arg7[%dma_start3A_24, %dma_start3A_25] : memref<256x32xf32, #tpu.memory_space<vmem>> -> memref<128x32xf32, #tpu.memory_space<vmem>>
    %dma_start3A_27 = arith.constant 0 : i32
    %dma_start3A_28 = tpu.memref_slice %arg6[%dma_start3A_23, %dma_start3A_27] : memref<2x128xi32, #tpu.memory_space<vmem>> -> memref<1x128xi32, #tpu.memory_space<vmem>>
    %dma_start3A_29 = tpu.memref_squeeze %dma_start3A_28 : memref<1x128xi32, #tpu.memory_space<vmem>> -> memref<128xi32, #tpu.memory_space<vmem>>
    %dma_start3A_30 = arith.constant 0 : i32
    %dma_start3A_31 = arith.constant 0 : i32
    %dma_start3A_32 = tpu.memref_slice %arg2[%dma_start3A_30, %dma_start3A_31] : memref<8192x32xf32, #tpu.memory_space<hbm>> -> memref<8192x32xf32, #tpu.memory_space<hbm>>
    tpu.enqueue_indirect_dma source(%dma_start3A_32 : memref<8192x32xf32, #tpu.memory_space<hbm>>) target(%dma_start3A_26 : memref<128x32xf32, #tpu.memory_space<vmem>>) offsets(%dma_start3A_29 : memref<128xi32, #tpu.memory_space<vmem>>) semaphore(%arg9 : memref<!tpu.dma_semaphore, #tpu.memory_space<semaphore_mem>>)
    %dma_wait3A_33 = arith.constant 1 : i32
    %dma_wait3A_34 = arith.constant 128 : i32
    %dma_wait3A_35 = arith.constant 0 : i32
    %dma_wait3A_36 = tpu.memref_slice %arg7[%dma_wait3A_34, %dma_wait3A_35] : memref<256x32xf32, #tpu.memory_space<vmem>> -> memref<128x32xf32, #tpu.memory_space<vmem>>
    %dma_wait3A_37 = arith.constant 0 : i32
    %dma_wait3A_38 = tpu.memref_slice %arg6[%dma_wait3A_33, %dma_wait3A_37] : memref<2x128xi32, #tpu.memory_space<vmem>> -> memref<1x128xi32, #tpu.memory_space<vmem>>
    %dma_wait3A_39 = tpu.memref_squeeze %dma_wait3A_38 : memref<1x128xi32, #tpu.memory_space<vmem>> -> memref<128xi32, #tpu.memory_space<vmem>>
    %dma_wait3A_40 = arith.constant 0 : i32
    %dma_wait3A_41 = arith.constant 0 : i32
    %dma_wait3A_42 = tpu.memref_slice %arg2[%dma_wait3A_40, %dma_wait3A_41] : memref<8192x32xf32, #tpu.memory_space<hbm>> -> memref<8192x32xf32, #tpu.memory_space<hbm>>
    tpu.wait_indirect_dma semaphore(%arg9 : memref<!tpu.dma_semaphore, #tpu.memory_space<semaphore_mem>>) src(%dma_wait3A_42 : memref<8192x32xf32, #tpu.memory_space<hbm>>) dst(%dma_wait3A_36 : memref<128x32xf32, #tpu.memory_space<vmem>>)
    %scan3A = arith.constant 0 : i32
    %scan3A_43 = arith.constant 0 : i32
    %scan3A_44 = arith.constant 256 : i32
    %scan3A_45 = arith.addi %scan3A_43, %scan3A_44 : i32
    %scan3A_46 = arith.constant 1 : i32
    scf.for %scan3A_48 = %scan3A_43 to %scan3A_45 step %scan3A_46  : i32 {
      %get3A = arith.index_cast %scan3A_48 : i32 to index
      %get3A_49 = arith.constant 0 : index
      %get3A_50 = tpu.vector_load %arg7[%get3A, %get3A_49] {strides = array<i32>} : memref<256x32xf32, #tpu.memory_space<vmem>>, vector<1x16xf32>,
      %get3A_51 = vector.shape_cast %get3A_50 : vector<1x16xf32> to vector<16xf32>
      %get3A_52 = arith.index_cast %scan3A_48 : i32 to index
      %get3A_53 = arith.constant 0 : index
      %get3A_54 = tpu.vector_load %arg8[%get3A_52, %get3A_53] {strides = array<i32>} : memref<256x32xf32, #tpu.memory_space<vmem>>, vector<1x16xf32>,
      %get3A_55 = vector.shape_cast %get3A_54 : vector<1x16xf32> to vector<16xf32>
      %sub3A = arith.subf %get3A_51, %get3A_55 : vector<16xf32>
      %add3A_56 = arith.addf %get3A_55, %sub3A : vector<16xf32>
      %swap3A = arith.index_cast %scan3A_48 : i32 to index
      %swap3A_57 = arith.constant 0 : index
      %swap3A_58 = tpu.vector_load %arg7[%swap3A, %swap3A_57] {strides = array<i32>} : memref<256x32xf32, #tpu.memory_space<vmem>>, vector<1x16xf32>,
      %swap3A_59 = vector.shape_cast %swap3A_58 : vector<1x16xf32> to vector<16xf32>
      %swap3A_60 = vector.shape_cast %add3A_56 : vector<16xf32> to vector<1x16xf32>
      tpu.vector_store %arg7[%swap3A, %swap3A_57], %swap3A_60 {strides = array<i32>} : memref<256x32xf32, #tpu.memory_space<vmem>>, vector<1x16xf32>,
      %get3A_61 = arith.index_cast %scan3A_48 : i32 to index
      %get3A_62 = arith.constant 16 : index
      %get3A_63 = tpu.vector_load %arg7[%get3A_61, %get3A_62] {strides = array<i32>} : memref<256x32xf32, #tpu.memory_space<vmem>>, vector<1x16xf32>,
      %get3A_64 = vector.shape_cast %get3A_63 : vector<1x16xf32> to vector<16xf32>
      %get3A_65 = arith.index_cast %scan3A_48 : i32 to index
      %get3A_66 = arith.constant 16 : index
      %get3A_67 = tpu.vector_load %arg8[%get3A_65, %get3A_66] {strides = array<i32>} : memref<256x32xf32, #tpu.memory_space<vmem>>, vector<1x16xf32>,
      %get3A_68 = vector.shape_cast %get3A_67 : vector<1x16xf32> to vector<16xf32>
      %sub3A_69 = arith.subf %get3A_64, %get3A_68 : vector<16xf32>
      %add3A_70 = arith.addf %get3A_68, %sub3A_69 : vector<16xf32>
      %swap3A_71 = arith.index_cast %scan3A_48 : i32 to index
      %swap3A_72 = arith.constant 16 : index
      %swap3A_73 = tpu.vector_load %arg7[%swap3A_71, %swap3A_72] {strides = array<i32>} : memref<256x32xf32, #tpu.memory_space<vmem>>, vector<1x16xf32>,
      %swap3A_74 = vector.shape_cast %swap3A_73 : vector<1x16xf32> to vector<16xf32>
      %swap3A_75 = vector.shape_cast %add3A_70 : vector<16xf32> to vector<1x16xf32>
      tpu.vector_store %arg7[%swap3A_71, %swap3A_72], %swap3A_75 {strides = array<i32>} : memref<256x32xf32, #tpu.memory_space<vmem>>, vector<1x16xf32>,
    }
    %scan3A_47 = arith.constant 256 : i32
    "tpu.region"() ({
      %run_scoped3A = tpu.sem_alloc : memref<!tpu.dma_semaphore, #tpu.memory_space<semaphore_mem>>
      %dma_start3A_48 = arith.constant 0 : i32
      %dma_start3A_49 = tpu.memref_slice %arg5[%mul3A_2, %dma_start3A_48] : memref<8192x32xf32, #tpu.memory_space<hbm>> -> memref<256x32xf32, #tpu.memory_space<hbm>>
      %dma_start3A_50 = arith.constant 0 : i32
      %dma_start3A_51 = tpu.memref_slice %arg5[%mul3A_2, %dma_start3A_50] : memref<8192x32xf32, #tpu.memory_space<hbm>> -> memref<256x32xf32, #tpu.memory_space<hbm>>
      tpu.enqueue_dma source(%arg7 : memref<256x32xf32, #tpu.memory_space<vmem>>) target(%dma_start3A_51 : memref<256x32xf32, #tpu.memory_space<hbm>>) target_semaphore(%run_scoped3A : memref<!tpu.dma_semaphore, #tpu.memory_space<semaphore_mem>>)
      %dma_wait3A_52 = arith.constant 0 : i32
      %dma_wait3A_53 = tpu.memref_slice %arg5[%mul3A_2, %dma_wait3A_52] : memref<8192x32xf32, #tpu.memory_space<hbm>> -> memref<256x32xf32, #tpu.memory_space<hbm>>
      %dma_wait3A_54 = arith.constant 0 : i32
      %dma_wait3A_55 = tpu.memref_slice %arg5[%mul3A_2, %dma_wait3A_54] : memref<8192x32xf32, #tpu.memory_space<hbm>> -> memref<256x32xf32, #tpu.memory_space<hbm>>
      tpu.wait_dma2 semaphore(%run_scoped3A : memref<!tpu.dma_semaphore, #tpu.memory_space<semaphore_mem>>) src(%arg7 : memref<256x32xf32, #tpu.memory_space<vmem>>) dst(%dma_wait3A_55 : memref<256x32xf32, #tpu.memory_space<hbm>>)
      tpu.yield
    }) : () -> ()
    return
  }
}

module attributes {stable_mosaic.version = 14 : i64} {
  func.func @_dist_argmin_body(%arg0: i32, %arg1: memref<1x8192xf32, #tpu.memory_space<vmem>>, %arg2: memref<2048x32xf32, #tpu.memory_space<vmem>>, %arg3: memref<8192x32xf32, #tpu.memory_space<vmem>>, %arg4: memref<1x1x2048xi32, #tpu.memory_space<vmem>>, %arg5: memref<1x1xf32, #tpu.memory_space<smem>>) attributes {dimension_semantics = [#tpu.dimension_semantics<arbitrary>], iteration_bounds = array<i64: 4>, scalar_prefetch = 0 : i64, scratch_operands = 0 : i64, tpu.core_type = #tpu.core_type<tc>, window_params = [{pipeline_mode = #tpu.pipeline_mode<synchronous>, transform_indices = @transform_0, window_bounds = array<i64: 1, 8192>}, {transform_indices = @transform_1, window_bounds = array<i64: 2048, 32>}, {pipeline_mode = #tpu.pipeline_mode<synchronous>, transform_indices = @transform_2, window_bounds = array<i64: 8192, 32>}, {transform_indices = @transform_3, window_bounds = array<i64: 1, 1, 2048>}, {transform_indices = @transform_4, window_bounds = array<i64: 1, 1>}]} {
    %get3A = arith.constant 0 : index
    %get3A_0 = arith.constant 0 : index
    %get3A_1 = vector.load %arg2[%get3A, %get3A_0] : memref<2048x32xf32, #tpu.memory_space<vmem>>, vector<2048x32xf32>
    %mul3A = arith.mulf %get3A_1, %get3A_1 : vector<2048x32xf32>
    %reduce_sum3A = arith.constant dense<0.000000e+00> : vector<2048xf32>
    %reduce_sum3A_2 = vector.multi_reduction <add>, %mul3A, %reduce_sum3A [1] : vector<2048x32xf32> to vector<2048xf32>
    %broadcast_in_dim3A = arith.constant 0x7F800000 : f32
    %broadcast_in_dim3A_3 = vector.broadcast %broadcast_in_dim3A : f32 to vector<2048xf32>
    %broadcast_in_dim3A_4 = arith.constant 0.000000e+00 : f32
    %broadcast_in_dim3A_5 = vector.broadcast %broadcast_in_dim3A_4 : f32 to vector<2048xf32>
    %broadcast_in_dim3A_6 = arith.constant 0 : i32
    %broadcast_in_dim3A_7 = vector.broadcast %broadcast_in_dim3A_6 : i32 to vector<2048xi32>
    %iota3A = tpu.iota {dimensions = array<i32: 1>} : vector<2048x2048xi32>
    %get3A_8 = arith.constant 0 : index
    %get3A_9 = arith.constant 0 : index
    %get3A_10 = vector.load %arg3[%get3A_8, %get3A_9] : memref<8192x32xf32, #tpu.memory_space<vmem>>, vector<2048x32xf32>
    %get3A_11 = arith.constant 0 : index
    %get3A_12 = arith.constant 0 : index
    %get3A_13 = vector.load %arg1[%get3A_11, %get3A_12] : memref<1x8192xf32, #tpu.memory_space<vmem>>, vector<1x2048xf32>
    %get3A_14 = vector.shape_cast %get3A_13 : vector<1x2048xf32> to vector<2048xf32>
    %dot_general3A = arith.constant dense<0.000000e+00> : vector<2048x2048xf32>
    %dot_general3A_15 = tpu.matmul %get3A_1, %get3A_10, %dot_general3A {dimension_numbers = #tpu.dot_dimension_numbers<[1], [1], [0], [0], [0, 0, 1, 0], [], []>, transpose_lhs_hint = false} : vector<2048x32xf32>, vector<2048x32xf32>, vector<2048x2048xf32> -> vector<2048x2048xf32>
    %broadcast_in_dim3A_16 = vector.shape_cast %reduce_sum3A_2 : vector<2048xf32> to vector<2048x1xf32>
    %broadcast_in_dim3A_17 = vector.shape_cast %get3A_14 : vector<2048xf32> to vector<1x2048xf32>
    %add3A = vector.broadcast %broadcast_in_dim3A_16 : vector<2048x1xf32> to vector<2048x2048xf32>
    %add3A_18 = vector.broadcast %broadcast_in_dim3A_17 : vector<1x2048xf32> to vector<2048x2048xf32>
    %add3A_19 = arith.addf %add3A, %add3A_18 : vector<2048x2048xf32>
    %mul3A_20 = arith.constant 2.000000e+00 : f32
    %mul3A_21 = vector.broadcast %mul3A_20 : f32 to vector<2048x2048xf32>
    %mul3A_22 = arith.mulf %mul3A_21, %dot_general3A_15 : vector<2048x2048xf32>
    %sub3A = arith.subf %add3A_19, %mul3A_22 : vector<2048x2048xf32>
    %reduce_min3A = arith.constant dense<0x7F800000> : vector<2048xf32>
    %reduce_min3A_23 = vector.multi_reduction <minimumf>, %sub3A, %reduce_min3A [1] : vector<2048x2048xf32> to vector<2048xf32>
    %broadcast_in_dim3A_24 = vector.shape_cast %reduce_min3A_23 : vector<2048xf32> to vector<2048x1xf32>
    %eq3A = vector.broadcast %broadcast_in_dim3A_24 : vector<2048x1xf32> to vector<2048x2048xf32>
    %eq3A_25 = arith.cmpf oeq, %sub3A, %eq3A : vector<2048x2048xf32>
    %jit3A = arith.constant 8192 : i32
    %broadcast_in_dim3A_26 = vector.broadcast %jit3A : i32 to vector<2048x2048xi32>
    %select_n3A = arith.select %eq3A_25, %iota3A, %broadcast_in_dim3A_26 : vector<2048x2048xi1>, vector<2048x2048xi32>
    %reduce_min3A_27 = arith.constant dense<2147483647> : vector<2048xi32>
    %reduce_min3A_28 = vector.multi_reduction <minsi>, %select_n3A, %reduce_min3A_27 [1] : vector<2048x2048xi32> to vector<2048xi32>
    %lt3A = arith.cmpf olt, %reduce_min3A_23, %broadcast_in_dim3A_3 : vector<2048xf32>
    %select_n3A_29 = arith.select %lt3A, %reduce_min3A_23, %broadcast_in_dim3A_5 : vector<2048xi1>, vector<2048xf32>
    %add3A_30 = arith.constant 0 : i32
    %add3A_31 = vector.broadcast %add3A_30 : i32 to vector<2048xi32>
    %add3A_32 = arith.addi %reduce_min3A_28, %add3A_31 : vector<2048xi32>
    %select_n3A_33 = arith.select %lt3A, %add3A_32, %broadcast_in_dim3A_7 : vector<2048xi1>, vector<2048xi32>
    %select_n3A_34 = arith.select %lt3A, %reduce_min3A_23, %broadcast_in_dim3A_3 : vector<2048xi1>, vector<2048xf32>
    %convert_element_type3A = arith.truncf %select_n3A_34 : vector<2048xf32> to vector<2048xbf16>
    %convert_element_type3A_35 = arith.extf %convert_element_type3A : vector<2048xbf16> to vector<2048xf32>
    %get3A_36 = arith.constant 2048 : index
    %get3A_37 = arith.constant 0 : index
    %get3A_38 = vector.load %arg3[%get3A_36, %get3A_37] : memref<8192x32xf32, #tpu.memory_space<vmem>>, vector<2048x32xf32>
    %get3A_39 = arith.constant 0 : index
    %get3A_40 = arith.constant 2048 : index
    %get3A_41 = vector.load %arg1[%get3A_39, %get3A_40] : memref<1x8192xf32, #tpu.memory_space<vmem>>, vector<1x2048xf32>
    %get3A_42 = vector.shape_cast %get3A_41 : vector<1x2048xf32> to vector<2048xf32>
    %dot_general3A_43 = arith.constant dense<0.000000e+00> : vector<2048x2048xf32>
    %dot_general3A_44 = tpu.matmul %get3A_1, %get3A_38, %dot_general3A_43 {dimension_numbers = #tpu.dot_dimension_numbers<[1], [1], [0], [0], [0, 0, 1, 0], [], []>, transpose_lhs_hint = false} : vector<2048x32xf32>, vector<2048x32xf32>, vector<2048x2048xf32> -> vector<2048x2048xf32>
    %broadcast_in_dim3A_45 = vector.shape_cast %reduce_sum3A_2 : vector<2048xf32> to vector<2048x1xf32>
    %broadcast_in_dim3A_46 = vector.shape_cast %get3A_42 : vector<2048xf32> to vector<1x2048xf32>
    %add3A_47 = vector.broadcast %broadcast_in_dim3A_45 : vector<2048x1xf32> to vector<2048x2048xf32>
    %add3A_48 = vector.broadcast %broadcast_in_dim3A_46 : vector<1x2048xf32> to vector<2048x2048xf32>
    %add3A_49 = arith.addf %add3A_47, %add3A_48 : vector<2048x2048xf32>
    %mul3A_50 = arith.constant 2.000000e+00 : f32
    %mul3A_51 = vector.broadcast %mul3A_50 : f32 to vector<2048x2048xf32>
    %mul3A_52 = arith.mulf %mul3A_51, %dot_general3A_44 : vector<2048x2048xf32>
    %sub3A_53 = arith.subf %add3A_49, %mul3A_52 : vector<2048x2048xf32>
    %reduce_min3A_54 = arith.constant dense<0x7F800000> : vector<2048xf32>
    %reduce_min3A_55 = vector.multi_reduction <minimumf>, %sub3A_53, %reduce_min3A_54 [1] : vector<2048x2048xf32> to vector<2048xf32>
    %broadcast_in_dim3A_56 = vector.shape_cast %reduce_min3A_55 : vector<2048xf32> to vector<2048x1xf32>
    %eq3A_57 = vector.broadcast %broadcast_in_dim3A_56 : vector<2048x1xf32> to vector<2048x2048xf32>
    %eq3A_58 = arith.cmpf oeq, %sub3A_53, %eq3A_57 : vector<2048x2048xf32>
    %jit3A_59 = arith.constant 8192 : i32
    %broadcast_in_dim3A_60 = vector.broadcast %jit3A_59 : i32 to vector<2048x2048xi32>
    %select_n3A_61 = arith.select %eq3A_58, %iota3A, %broadcast_in_dim3A_60 : vector<2048x2048xi1>, vector<2048x2048xi32>
    %reduce_min3A_62 = arith.constant dense<2147483647> : vector<2048xi32>
    %reduce_min3A_63 = vector.multi_reduction <minsi>, %select_n3A_61, %reduce_min3A_62 [1] : vector<2048x2048xi32> to vector<2048xi32>
    %lt3A_64 = arith.cmpf olt, %reduce_min3A_55, %convert_element_type3A_35 : vector<2048xf32>
    %select_n3A_65 = arith.select %lt3A_64, %reduce_min3A_55, %select_n3A_29 : vector<2048xi1>, vector<2048xf32>
    %add3A_66 = arith.constant 2048 : i32
    %add3A_67 = vector.broadcast %add3A_66 : i32 to vector<2048xi32>
    %add3A_68 = arith.addi %reduce_min3A_63, %add3A_67 : vector<2048xi32>
    %select_n3A_69 = arith.select %lt3A_64, %add3A_68, %select_n3A_33 : vector<2048xi1>, vector<2048xi32>
    %select_n3A_70 = arith.select %lt3A_64, %reduce_min3A_55, %convert_element_type3A_35 : vector<2048xi1>, vector<2048xf32>
    %convert_element_type3A_71 = arith.truncf %select_n3A_70 : vector<2048xf32> to vector<2048xbf16>
    %convert_element_type3A_72 = arith.extf %convert_element_type3A_71 : vector<2048xbf16> to vector<2048xf32>
    %get3A_73 = arith.constant 4096 : index
    %get3A_74 = arith.constant 0 : index
    %get3A_75 = vector.load %arg3[%get3A_73, %get3A_74] : memref<8192x32xf32, #tpu.memory_space<vmem>>, vector<2048x32xf32>
    %get3A_76 = arith.constant 0 : index
    %get3A_77 = arith.constant 4096 : index
    %get3A_78 = vector.load %arg1[%get3A_76, %get3A_77] : memref<1x8192xf32, #tpu.memory_space<vmem>>, vector<1x2048xf32>
    %get3A_79 = vector.shape_cast %get3A_78 : vector<1x2048xf32> to vector<2048xf32>
    %dot_general3A_80 = arith.constant dense<0.000000e+00> : vector<2048x2048xf32>
    %dot_general3A_81 = tpu.matmul %get3A_1, %get3A_75, %dot_general3A_80 {dimension_numbers = #tpu.dot_dimension_numbers<[1], [1], [0], [0], [0, 0, 1, 0], [], []>, transpose_lhs_hint = false} : vector<2048x32xf32>, vector<2048x32xf32>, vector<2048x2048xf32> -> vector<2048x2048xf32>
    %broadcast_in_dim3A_82 = vector.shape_cast %reduce_sum3A_2 : vector<2048xf32> to vector<2048x1xf32>
    %broadcast_in_dim3A_83 = vector.shape_cast %get3A_79 : vector<2048xf32> to vector<1x2048xf32>
    %add3A_84 = vector.broadcast %broadcast_in_dim3A_82 : vector<2048x1xf32> to vector<2048x2048xf32>
    %add3A_85 = vector.broadcast %broadcast_in_dim3A_83 : vector<1x2048xf32> to vector<2048x2048xf32>
    %add3A_86 = arith.addf %add3A_84, %add3A_85 : vector<2048x2048xf32>
    %mul3A_87 = arith.constant 2.000000e+00 : f32
    %mul3A_88 = vector.broadcast %mul3A_87 : f32 to vector<2048x2048xf32>
    %mul3A_89 = arith.mulf %mul3A_88, %dot_general3A_81 : vector<2048x2048xf32>
    %sub3A_90 = arith.subf %add3A_86, %mul3A_89 : vector<2048x2048xf32>
    %reduce_min3A_91 = arith.constant dense<0x7F800000> : vector<2048xf32>
    %reduce_min3A_92 = vector.multi_reduction <minimumf>, %sub3A_90, %reduce_min3A_91 [1] : vector<2048x2048xf32> to vector<2048xf32>
    %broadcast_in_dim3A_93 = vector.shape_cast %reduce_min3A_92 : vector<2048xf32> to vector<2048x1xf32>
    %eq3A_94 = vector.broadcast %broadcast_in_dim3A_93 : vector<2048x1xf32> to vector<2048x2048xf32>
    %eq3A_95 = arith.cmpf oeq, %sub3A_90, %eq3A_94 : vector<2048x2048xf32>
    %jit3A_96 = arith.constant 8192 : i32
    %broadcast_in_dim3A_97 = vector.broadcast %jit3A_96 : i32 to vector<2048x2048xi32>
    %select_n3A_98 = arith.select %eq3A_95, %iota3A, %broadcast_in_dim3A_97 : vector<2048x2048xi1>, vector<2048x2048xi32>
    %reduce_min3A_99 = arith.constant dense<2147483647> : vector<2048xi32>
    %reduce_min3A_100 = vector.multi_reduction <minsi>, %select_n3A_98, %reduce_min3A_99 [1] : vector<2048x2048xi32> to vector<2048xi32>
    %lt3A_101 = arith.cmpf olt, %reduce_min3A_92, %convert_element_type3A_72 : vector<2048xf32>
    %select_n3A_102 = arith.select %lt3A_101, %reduce_min3A_92, %select_n3A_65 : vector<2048xi1>, vector<2048xf32>
    %add3A_103 = arith.constant 4096 : i32
    %add3A_104 = vector.broadcast %add3A_103 : i32 to vector<2048xi32>
    %add3A_105 = arith.addi %reduce_min3A_100, %add3A_104 : vector<2048xi32>
    %select_n3A_106 = arith.select %lt3A_101, %add3A_105, %select_n3A_69 : vector<2048xi1>, vector<2048xi32>
    %select_n3A_107 = arith.select %lt3A_101, %reduce_min3A_92, %convert_element_type3A_72 : vector<2048xi1>, vector<2048xf32>
    %convert_element_type3A_108 = arith.truncf %select_n3A_107 : vector<2048xf32> to vector<2048xbf16>
    %convert_element_type3A_109 = arith.extf %convert_element_type3A_108 : vector<2048xbf16> to vector<2048xf32>
    %get3A_110 = arith.constant 6144 : index
    %get3A_111 = arith.constant 0 : index
    %get3A_112 = vector.load %arg3[%get3A_110, %get3A_111] : memref<8192x32xf32, #tpu.memory_space<vmem>>, vector<2048x32xf32>
    %get3A_113 = arith.constant 0 : index
    %get3A_114 = arith.constant 6144 : index
    %get3A_115 = vector.load %arg1[%get3A_113, %get3A_114] : memref<1x8192xf32, #tpu.memory_space<vmem>>, vector<1x2048xf32>
    %get3A_116 = vector.shape_cast %get3A_115 : vector<1x2048xf32> to vector<2048xf32>
    %dot_general3A_117 = arith.constant dense<0.000000e+00> : vector<2048x2048xf32>
    %dot_general3A_118 = tpu.matmul %get3A_1, %get3A_112, %dot_general3A_117 {dimension_numbers = #tpu.dot_dimension_numbers<[1], [1], [0], [0], [0, 0, 1, 0], [], []>, transpose_lhs_hint = false} : vector<2048x32xf32>, vector<2048x32xf32>, vector<2048x2048xf32> -> vector<2048x2048xf32>
    %broadcast_in_dim3A_119 = vector.shape_cast %reduce_sum3A_2 : vector<2048xf32> to vector<2048x1xf32>
    %broadcast_in_dim3A_120 = vector.shape_cast %get3A_116 : vector<2048xf32> to vector<1x2048xf32>
    %add3A_121 = vector.broadcast %broadcast_in_dim3A_119 : vector<2048x1xf32> to vector<2048x2048xf32>
    %add3A_122 = vector.broadcast %broadcast_in_dim3A_120 : vector<1x2048xf32> to vector<2048x2048xf32>
    %add3A_123 = arith.addf %add3A_121, %add3A_122 : vector<2048x2048xf32>
    %mul3A_124 = arith.constant 2.000000e+00 : f32
    %mul3A_125 = vector.broadcast %mul3A_124 : f32 to vector<2048x2048xf32>
    %mul3A_126 = arith.mulf %mul3A_125, %dot_general3A_118 : vector<2048x2048xf32>
    %sub3A_127 = arith.subf %add3A_123, %mul3A_126 : vector<2048x2048xf32>
    %reduce_min3A_128 = arith.constant dense<0x7F800000> : vector<2048xf32>
    %reduce_min3A_129 = vector.multi_reduction <minimumf>, %sub3A_127, %reduce_min3A_128 [1] : vector<2048x2048xf32> to vector<2048xf32>
    %broadcast_in_dim3A_130 = vector.shape_cast %reduce_min3A_129 : vector<2048xf32> to vector<2048x1xf32>
    %eq3A_131 = vector.broadcast %broadcast_in_dim3A_130 : vector<2048x1xf32> to vector<2048x2048xf32>
    %eq3A_132 = arith.cmpf oeq, %sub3A_127, %eq3A_131 : vector<2048x2048xf32>
    %jit3A_133 = arith.constant 8192 : i32
    %broadcast_in_dim3A_134 = vector.broadcast %jit3A_133 : i32 to vector<2048x2048xi32>
    %select_n3A_135 = arith.select %eq3A_132, %iota3A, %broadcast_in_dim3A_134 : vector<2048x2048xi1>, vector<2048x2048xi32>
    %reduce_min3A_136 = arith.constant dense<2147483647> : vector<2048xi32>
    %reduce_min3A_137 = vector.multi_reduction <minsi>, %select_n3A_135, %reduce_min3A_136 [1] : vector<2048x2048xi32> to vector<2048xi32>
    %lt3A_138 = arith.cmpf olt, %reduce_min3A_129, %convert_element_type3A_109 : vector<2048xf32>
    %select_n3A_139 = arith.select %lt3A_138, %reduce_min3A_129, %select_n3A_102 : vector<2048xi1>, vector<2048xf32>
    %add3A_140 = arith.constant 6144 : i32
    %add3A_141 = vector.broadcast %add3A_140 : i32 to vector<2048xi32>
    %add3A_142 = arith.addi %reduce_min3A_137, %add3A_141 : vector<2048xi32>
    %select_n3A_143 = arith.select %lt3A_138, %add3A_142, %select_n3A_106 : vector<2048xi1>, vector<2048xi32>
    %swap3A = arith.constant 0 : index
    %swap3A_144 = arith.constant 0 : index
    %swap3A_145 = arith.constant 0 : index
    %swap3A_146 = vector.load %arg4[%swap3A, %swap3A_144, %swap3A_145] : memref<1x1x2048xi32, #tpu.memory_space<vmem>>, vector<1x1x2048xi32>
    %swap3A_147 = vector.shape_cast %swap3A_146 : vector<1x1x2048xi32> to vector<2048xi32>
    %swap3A_148 = vector.shape_cast %select_n3A_143 : vector<2048xi32> to vector<1x1x2048xi32>
    tpu.vector_store %arg4[%swap3A, %swap3A_144, %swap3A_145], %swap3A_148 {strides = array<i32>} : memref<1x1x2048xi32, #tpu.memory_space<vmem>>, vector<1x1x2048xi32>,
    %eq3A_149 = arith.constant 0 : i32
    %eq3A_150 = arith.cmpi eq, %arg0, %eq3A_149 : i32
    %convert_element_type3A_151 = arith.extui %eq3A_150 : i1 to i32
    %cond3A = arith.constant 0 : i32
    %cond3A_152 = arith.cmpi ne, %convert_element_type3A_151, %cond3A : i32
    scf.if %cond3A_152 {
      %swap3A_165 = arith.constant 0.000000e+00 : f32
      %swap3A_166 = arith.constant 0 : index
      %swap3A_167 = arith.constant 0 : index
      %swap3A_168 = memref.load %arg5[%swap3A_166, %swap3A_167] : memref<1x1xf32, #tpu.memory_space<smem>>
      memref.store %swap3A_165, %arg5[%swap3A_166, %swap3A_167] : memref<1x1xf32, #tpu.memory_space<smem>>
    } else {
    }
    %get3A_153 = arith.constant 0 : index
    %get3A_154 = arith.constant 0 : index
    %get3A_155 = memref.load %arg5[%get3A_153, %get3A_154] : memref<1x1xf32, #tpu.memory_space<smem>>
    %reduce_sum3A_156 = vector.shape_cast %select_n3A_139 : vector<2048xf32> to vector<1x2048xf32>
    %reduce_sum3A_157 = arith.constant dense<0.000000e+00> : vector<1xf32>
    %reduce_sum3A_158 = vector.multi_reduction <add>, %reduce_sum3A_156, %reduce_sum3A_157 [1] : vector<1x2048xf32> to vector<1xf32>
    %reduce_sum3A_159 = vector.shape_cast %reduce_sum3A_158 : vector<1xf32> to vector<1x1xf32>
    %reduce_sum3A_160 = vector.extract %reduce_sum3A_159[0, 0] : f32 from vector<1x1xf32>
    %add3A_161 = arith.addf %get3A_155, %reduce_sum3A_160 : f32
    %swap3A_162 = arith.constant 0 : index
    %swap3A_163 = arith.constant 0 : index
    %swap3A_164 = memref.load %arg5[%swap3A_162, %swap3A_163] : memref<1x1xf32, #tpu.memory_space<smem>>
    memref.store %add3A_161, %arg5[%swap3A_162, %swap3A_163] : memref<1x1xf32, #tpu.memory_space<smem>>
    return
  }
  func.func @transform_0(%arg0: i32) -> (i32, i32) {
    %c0_i32 = arith.constant 0 : i32
    %c0_i32_0 = arith.constant 0 : i32
    %c0_i32_1 = arith.constant 0 : i32
    return %c0_i32, %c0_i32_0 : i32, i32
  }
  func.func @transform_1(%arg0: i32) -> (i32, i32) {
    %c0_i32 = arith.constant 0 : i32
    %c0_i32_0 = arith.constant 0 : i32
    return %arg0, %c0_i32 : i32, i32
  }
  func.func @transform_2(%arg0: i32) -> (i32, i32) {
    %c0_i32 = arith.constant 0 : i32
    %c0_i32_0 = arith.constant 0 : i32
    %c0_i32_1 = arith.constant 0 : i32
    return %c0_i32, %c0_i32_0 : i32, i32
  }
  func.func @transform_3(%arg0: i32) -> (i32, i32, i32) {
    %c0_i32 = arith.constant 0 : i32
    %c0_i32_0 = arith.constant 0 : i32
    %c0_i32_1 = arith.constant 0 : i32
    return %arg0, %c0_i32, %c0_i32_0 : i32, i32, i32
  }
  func.func @transform_4(%arg0: i32) -> (i32, i32) {
    %c0_i32 = arith.constant 0 : i32
    %c0_i32_0 = arith.constant 0 : i32
    %c0_i32_1 = arith.constant 0 : i32
    return %c0_i32, %c0_i32_0 : i32, i32
  }
}

</mosaic_0001>

<sc_bundles>
// kernel: kernel.4.cloned.1.call-start
scs
__scs_entry_jumppad:
0x0: {  	(pc) =	sbr.rel $0x88, $3  }
0x1: {  	(tag) =	ssettag $0x0;
	lr =	simm.s32 $0x1  }
0x2: {  	[smem:$0x3F9F] =	sst lr;
	_ =	strace $0xD0000000  }
0x3: {  	_ = 	snop  }
0x4: {  	_ = 	snop  }
0x5: {  	_ = 	snop  }
0x6: {  	_ = 	snop  }
0x7: {  	_ = 	snop  }
__scs_overlays_trampoline_lowered:
0x8: {  	[smem:$0x3FAE] =	sst s0  }
0x9: {  	[smem:$0x3FAF] =	sst s1  }
0xa: {  	[smem:$0x3FB0] =	sst s2  }
0xb: {  	[smem:$0x3FB1] =	sst s3  }
0xc: {  	[smem:$0x3FB2] =	sst s4  }
0xd: {  	[smem:$0x3FB3] =	sst s5  }
0xe: {  	[smem:$0x3FB4] =	sst s6  }
0xf: {  	[smem:$0x3FB5] =	sst s7  }
0x10: {  	[smem:$0x3FB6] =	sst s8  }
0x11: {  	[smem:$0x3FB7] =	sst s9;
	s0 =	simm.s32 @!p0 $0x0  }
0x12: {  	s1 =	sld [smem:$0x3F9D];
	s0 =	simm.s32 @p0 $0x1  }
0x13: {  	[smem:$0x3FB8] =	sst s0;
	s0 =	simm.s32 @!p1 $0x0  }
0x14: {  	s2 =	sld [smem:$0x3F9C];
	s0 =	simm.s32 @p1 $0x1  }
0x15: {  	[smem:$0x3FB9] =	sst s0;
	s0 =	simm.s32 @!p2 $0x0  }
0x16: {  	s3 =	sld [smem:$0x3FDB];
	s0 =	simm.s32 @p2 $0x1  }
0x17: {  	s4 =	simm.s32 $0x1BF5;
	[smem:$0x3FBB] =	sst s0  }
0x18: {  	s0 =	sld [smem:$0x3F9E];
	_ =	swait.ge [sflag:s4], $0x0  }
0x19: {  	s7 =	sld [smem:$0x3F9F]  }
0x1a: {  	s8 =	sadd.s32 $0xFFFFE003, lr  }
0x1b: {  	s9 =	sadd.s32 $0xFFFFFEF7, lr;
	s5 =	simm.s32 $0xFFFFFFFF;
	p2 =	slt.u32 s8, $0xFFFFF086  }
0x1c: {  	p1 =	slt.u32 s9, $0xF7A;
	s5 =	simm.s32 @!p2 $0x0  }
0x1d: {  	s5 =	simm.s32 @p1 $0x1;
	p0 =	seq.s32 s7, s2  }
0x1e: {  	s7 =	smul.u32 @!p0 $0xF7A, s2;
	p2 =	seq.s32 @!p0 s5, $0x0  }
0x1f: {  	s9 =	smul.u32 $0xF7A, s1;
	s8 =	simm.s32 @!p0 $0x1BF5;
	p2 =	por !p2, p0  }
0x20: {  	[sflag:s8] =	ssyncset.s32 @!p0 $0xFFFFF086;
	s6 =	sadd.s32 @!p0 s3, s7;
	s7 =	simm.s32 @!p0 $0x108  }
0x21: {  	s3 =	sadd.s32 s3, s9;
	s6 =	sadd.s32 @!p0 $0x88, s6;
	s7 =	simm.s32 @p2 $0x1082  }
0x22: {  	[simem:s7], [sflag:s8] =	dma.local @!p0 [hbm:s6], $0xF7A  }
0x23: {  	s9 =	sor.u32 $0xD0000000, s2;
	s6 =	simm.s32 $0x108;
	_ =	swait.ge @!p0 [sflag:s8], $0x0  }
0x24: {  	s3 =	sadd.s32 $0x88, s3;
	s6 =	simm.s32 @!p1 $0x1082;
	[sflag:s4] =	ssyncset.s32 $0xFFFFF086  }
0x25: {  	[simem:s6], [sflag:s4] =	dma.local [hbm:s3], $0xF7A  }
0x26: {  	[smem:$0x3F9F] =	sst s1;
	(tag) =	ssettag s2;
	_ =	strace s9  }
0x27: {  	s1 =	sld [smem:$0x3FAF]  }
0x28: {  	s2 =	sld [smem:$0x3FB0]  }
0x29: {  	s4 =	sld [smem:$0x3FB2]  }
0x2a: {  	p0 =	seq.s32 s5, $0x0;
	s5 =	sld [smem:$0x3FB3]  }
0x2b: {  	s6 =	sld [smem:$0x3FB4]  }
0x2c: {  	s7 =	sld [smem:$0x3FB5]  }
0x2d: {  	s3 =	simm.s32 $0x108;
	s8 =	sld [smem:$0x3FB6]  }
0x2e: {  	s3 =	simm.s32 @!p0 $0x1082;
	s9 =	sld [smem:$0x3FB7]  }
0x2f: {  	lr =	sadd.s32 s0, s3;
	s0 =	sld [smem:$0x3FAE]  }
0x30: {  	s3 =	sld [smem:$0x3FB1]  }
0x31: {  	[smem:$0x3FBA] =	sst s10  }
0x32: {  	s10 =	sld [smem:$0x3FB8];
	_ =	sdelay $0x3  }
0x33: {  	p0 =	seq.s32 s10, $0x1;
	s10 =	sld [smem:$0x3FBA];
	_ =	sdelay $0x3  }
0x34: {  	[smem:$0x3FBA] =	sst s10  }
0x35: {  	s10 =	sld [smem:$0x3FB9];
	_ =	sdelay $0x3  }
0x36: {  	p1 =	seq.s32 s10, $0x1;
	s10 =	sld [smem:$0x3FBA];
	_ =	sdelay $0x3  }
0x37: {  	[smem:$0x3FBA] =	sst s10  }
0x38: {  	s10 =	sld [smem:$0x3FBB]  }
0x39: {  	_ = 	snop;
	(pc) =	sbr.ind lr, $3  }
0x3a: {  	_ = 	snop  }
0x3b: {  	_ = 	snop  }
0x3c: {  	p2 =	seq.s32 s10, $0x1;
	s10 =	sld [smem:$0x3FBA]  }
0x3d: {  	_ =	shalt  }
0x3e: {  	_ =	shalt  }
0x3f: {  	_ =	shalt  }
0x40: {  	_ =	shalt  }
0x41: {  	_ =	shalt  }
0x42: {  	_ =	shalt  }
0x43: {  	_ =	shalt  }
0x44: {  	_ =	shalt  }
0x45: {  	_ =	shalt  }
0x46: {  	_ =	shalt  }
0x47: {  	_ =	shalt  }
0x48: {  	_ =	shalt  }
0x49: {  	_ =	shalt  }
0x4a: {  	_ =	shalt  }
0x4b: {  	_ =	shalt  }
0x4c: {  	_ =	shalt  }
0x4d: {  	_ =	shalt  }
0x4e: {  	_ =	shalt  }
0x4f: {  	_ =	shalt  }
0x50: {  	_ =	shalt  }
0x51: {  	_ =	shalt  }
0x52: {  	_ =	shalt  }
0x53: {  	_ =	shalt  }
0x54: {  	_ =	shalt  }
0x55: {  	_ =	shalt  }
0x56: {  	_ =	shalt  }
0x57: {  	_ =	shalt  }
0x58: {  	_ =	shalt  }
0x59: {  	_ =	shalt  }
0x5a: {  	_ =	shalt  }
0x5b: {  	_ =	shalt  }
0x5c: {  	_ =	shalt  }
0x5d: {  	_ =	shalt  }
0x5e: {  	_ =	shalt  }
0x5f: {  	_ =	shalt  }
0x60: {  	_ =	shalt  }
0x61: {  	_ =	shalt  }
0x62: {  	_ =	shalt  }
0x63: {  	_ =	shalt  }
0x64: {  	_ =	shalt  }
0x65: {  	_ =	shalt  }
0x66: {  	_ =	shalt  }
0x67: {  	_ =	shalt  }
0x68: {  	_ =	shalt  }
0x69: {  	_ =	shalt  }
0x6a: {  	_ =	shalt  }
0x6b: {  	_ =	shalt  }
0x6c: {  	_ =	shalt  }
0x6d: {  	_ =	shalt  }
0x6e: {  	_ =	shalt  }
0x6f: {  	_ =	shalt  }
0x70: {  	_ =	shalt  }
0x71: {  	_ =	shalt  }
0x72: {  	_ =	shalt  }
0x73: {  	_ =	shalt  }
0x74: {  	_ =	shalt  }
0x75: {  	_ =	shalt  }
0x76: {  	_ =	shalt  }
0x77: {  	_ =	shalt  }
0x78: {  	_ =	shalt  }
0x79: {  	_ =	shalt  }
0x7a: {  	_ =	shalt  }
0x7b: {  	_ =	shalt  }
0x7c: {  	_ =	shalt  }
0x7d: {  	_ =	shalt  }
0x7e: {  	_ =	shalt  }
0x7f: {  	_ =	shalt  }
0x80: {  	_ =	shalt  }
0x81: {  	_ =	shalt  }
0x82: {  	_ =	shalt  }
0x83: {  	_ =	shalt  }
0x84: {  	_ =	shalt  }
0x85: {  	_ =	shalt  }
0x86: {  	_ =	shalt  }
0x87: {  	_ =	shalt  }
.Lfunc_end0:
.L_simem_size_0:
called_computation_lowered:
.L_overlay_start_0:
0x88: {  	s2 =	sld [smem:$0x3FD9]  }
0x89: {  	s3 =	sld [smem:$0x3FFE];
	_ =	sdelay $0x1  }
0x8a: {  	s1 =	srdreg.scid  }
0x8b: {  	s0 =	sand.u32 $0x1, s1  }
0x8c: {  	s14 =	sshll.u32 s0, $0xA;
	s2 =	sadd.s32 s3, s2  }
0x8d: {  	s2 =	sadd.s32 s2, s14  }
0x8e: {  	[smem:$0x3FC6] =	sst s2  }
0x8f: {  	_ = 	snop  }
0x90: {  	s2 =	sld [smem:$0x3FD0];
	_ =	sdelay $0x2  }
0x91: {  	s15 =	simm.s32 $0xA;
	s4 =	simm.s32 $0x10  }
0x92: {  	[smem:s4], [sflag:s15] =	dma.local [hbm:s2], $0x1  }
0x93: {  	_ =	swait.eq [sflag:s15], $0x1  }
0x94: {  	[sflag:s15] =	ssyncset.done $0x0  }
0x95: {  	[sflag:s15] =	ssyncadd.s32 $0xFFFFFFFF  }
0x96: {  	s16 =	sld [smem:$0x10];
	(tm) =	ssettm $0x1  }
0x97: {  	s17 =	sld [smem:$0x3FFB];
	_ =	sdelay $0x3  }
0x98: {  	_ =	strace s17  }
0x99: {  	s3 =	sld [smem:$0x3FFC];
	_ =	sdelay $0x3  }
0x9a: {  	_ =	strace s3  }
0x9b: {  	s3 =	sld [smem:$0x3FFD];
	_ =	sdelay $0x3  }
0x9c: {  	_ =	strace s3  }
0x9d: {  	_ =	strace $0x8FFFFFFF  }
0x9e: {  	s18 =	sld [smem:$0x3FDB];
	_ =	sdelay $0x1  }
0x9f: {  	s19 =	simm.s32 $_scs_section_size  }
0xa0: {  	s5 =	simm.s32 $_size__tile_overlayer_lowered;
	s6 =	simm.s32 $_tile_overlayer_lowered  }
0xa1: {  	s22 =	simm.s32 $0x1BFF;
	s21 =	sshll.u32 s6, $0x1;
	s3 =	sadd.s32 s19, s18  }
0xa2: {  	s7 =	simm.s32 $0x0;
	s20 =	sshll.u32 s5, $0x1;
	s5 =	sadd.s32 s21, s3  }
0xa3: {  	[timem:s7], [sflag:s22] =	dma.local [hbm:s5], s20  }
0xa4: {  	_ =	swait.ge [sflag:s22], s20  }
0xa5: {  	s4 =	ssub.s32 $0x0, s20;
	[sflag:s22] =	ssyncset.done $0x0  }
0xa6: {  	[sflag:s22] =	ssyncadd.s32 s4;
	_ =	sdelay $0x1  }
0xa7: {  	s23 =	simm.s32 $0x1B8B  }
0xa8: {  	_ =	swait.ge [sflag:s23], $0x1  }
0xa9: {  	[sflag:s23] =	ssyncset.done $0x0  }
0xaa: {  	s25 =	simm.s32 $0x1B8E;
	s24 =	sld [smem:$0x3FFE];
	[sflag:s23] =	ssyncadd.s32 $0xFFFFFFFF  }
0xab: {  	s26 =	simm.s32 $execute0_lowered;
	[smem:$0x3FD2] =	sst s25  }
0xac: {  	s5 =	sshll.u32 s26, $0x1;
	_ =	strace $0x80000046;
	[dreg:$0x1] =	wrdreg $0xFFFFFFFF  }
0xad: {  	s28 =	simm.s32 $_size_execute0_lowered;
	s3 =	sadd.s32 s3, s5;
	[dreg:$0x0] =	wrdreg $0x0  }
0xae: {  	s5 =	sshll.u32 s28, $0x1;
	[dreg:$0x2] =	wrdreg s3  }
0xaf: {  	[dreg:$0x3] =	wrdreg s5  }
0xb0: {  	[dreg:$0x4] =	wrdreg $0xC0  }
0xb1: {  	_ =	task [dreg:s7], $0x5FFFF  }
0xb2: {  	[dreg:$0x1] =	wrdreg $0xFFFFFFFF  }
0xb3: {  	[dreg:$0x0] =	wrdreg $0x60  }
0xb4: {  	[dreg:$0x2] =	wrdreg s16  }
0xb5: {  	[dreg:$0x3] =	wrdreg s24  }
0xb6: {  	[dreg:$0x4] =	wrdreg $0x9  }
0xb7: {  	_ =	task.clear_ibuf [dreg:s7], $0x5FFFF;
	_ =	strace $0x90000046  }
0xb8: {  	s29 =	simm.s32 $0x9;
	_ =	strace $0x80000048  }
0xb9: {  	_ =	swait.ge [sflag:s29], $0x1  }
0xba: {  	[sflag:s29] =	ssyncadd.s32 $0xFFFFFFFF  }
0xbb: {  	_ =	strace $0x90000048  }
0xbc: {  	_ =	sfence  }
0xbd: {  	s30 =	sld [smem:$0x0];
	_ =	sdelay $0x2  }
0xbe: {  	s31 =	sshll.u32 s1, $0xD;
	s1 =	sshrl.u32 s1, $0x2  }
0xbf: {  	s3 =	sand.u32 $0x4000, s31;
	s1 =	sadd.s32 s1, s30  }
0xc0: {  	s0 =	sor.u32 s3, s0;
	s1 =	sshll.u32 s1, $0x11  }
0xc1: {  	s0 =	sor.u32 s1, s0  }
0xc2: {  	s0 =	sadd.s32 $0x8F2B, s0  }
0xc3: {  	[sflag:s0] =	ssyncadd.remote.s32 $0x1  }
0xc4: {  	_ =	sfence.sel $0xFFFF  }
0xc5: {  	[dreg:$0x0] =	wrdreg $0xFFFFFFFF;
	(pc) =	sbr.abs _section_cstart, $3  }
0xc6: {  	[dreg:$0x1] =	wrdreg $0xFFFFFFFF  }
0xc7: {  	_ =	task.clear_ibuf [dreg:s7], $0x2FFFF;
	_ =	strace $0x9FFFFFFF  }
0xc8: {  	(tm) =	ssettm $0x7FFFFFFF  }
0xc9: {  	_ =	shalt  }
tec
execute0_lowered:
.L_overlay_start_1:
0x0: {  	(tag) =	ssettag $0x1  }
0x1: {  	s1 =	rddreg [dreg:$0x0]  }
0x2: {  	s4 =	rddreg [dreg:$0x1]  }
0x3: {  	s0 =	rddreg [dreg:$0x2];
	s3 =	simm.s32 $0x0;
	s5 =	srdreg.scid  }
0x4: {  	s2 =	stileid.u32;
	s9 =	simm.s32 $0x2100;
	s10 =	simm.s32 $0x80  }
0x5: {  	s11 =	simm.s32 $0x100;
	s12 =	simm.s32 $0x1;
	s13 =	simm.s32 $0x1100  }
0x6: {  	[smem:$0x7FF] =	sst s3;
	s5 =	sand.u32 $0x1, s5;
	s6 =	sshll.u32 s2, $0x1  }
0x7: {  	s14 =	simm.s32 $0x0;
	_ =	strace $0x80000047;
	s6 =	sor.u32 s5, s6  }
0x8: {  	s5 =	ssub.s32 $0x2, s5;
	s7 =	sshll.u32 s6, $0x5;
	s6 =	sshll.u32 s6, $0xA  }
0x9: {  	s31 =	sshrl.u32 s5, $0x1;
	s7 =	sadd.s32 s7, s4;
	s6 =	sadd.s32 s6, s4  }
0xa: {  	s8 =	ssub.s32 s5, s31;
	s4 =	sadd.s32 $0x8400, s7;
	s5 =	sadd.s32 $0x400, s6  }
0xb: {  	s6 =	sadd.s32 $0x8800, s6;
	s7 =	smax.u32 s8, $0x1;
	s8 =	simm.s32 $0x2  }
.LBB2_1:
0xc: {  	[tilespmem:s3], [sflag:$0x2] =	stream.linear.gather [hbm4b:s4+s3], $0x100, $0x38;
	[tilespmem:$0x4100] =	vst v63  }
0xd: {  	_ =	swait.ge [sflag:s8], $0x100  }
0xe: {  	[sflag:s8] =	ssyncset.done $0x0  }
0xf: {  	[sflag:s8] =	ssyncadd.s32 $0xFFFFFF00  }
0x10: {  	[tilespmem:s9], [sflag:$0x2] =	stream.linear.gather [hbm4b:s5+s3], $0x2000, $0x38;
	[tilespmem:$0x4100] =	vst v63  }
0x11: {  	_ =	swait.ge [sflag:s8], $0x2000  }
0x12: {  	[sflag:s8] =	ssyncset.done $0x0  }
0x13: {  	[sflag:s8] =	ssyncadd.s32 $0xFFFFE000  }
0x14: {  	[tilespmem:s11], [sflag:$0x1] =	stream.indirect.gather [hbm4b:s1+s10], $0x20, s3, s10, $0xb8;
	[tilespmem:$0x4100] =	vst v63  }
0x15: {  	_ =	swait.ge [sflag:s12], $0x1000  }
0x16: {  	[sflag:s12] =	ssyncset.done $0x0  }
0x17: {  	[sflag:s12] =	ssyncadd.s32 $0xFFFFF000  }
0x18: {  	[tilespmem:s13], [sflag:$0x1] =	stream.indirect.gather [hbm4b:s1+s10], $0x20, s10, s10, $0xb8;
	[tilespmem:$0x4100] =	vst v63  }
0x19: {  	_ =	swait.ge [sflag:s12], $0x1000  }
0x1a: {  	[sflag:s12] =	ssyncset.done $0x0  }
0x1b: {  	s15 =	simm.s32 $0x0;
	[sflag:s12] =	ssyncadd.s32 $0xFFFFF000  }
0x1c: {  	v0 =	vld [tilespmem:s15+$0x2100]  }
0x1d: {  	v1 =	vld [tilespmem:s15+$0x2110]  }
0x1e: {  	s16 =	simm.s32 $0x80;
	v2 =	vld [tilespmem:s15+$0x100]  }
.LBB2_2:
0x1f: {  	p0 =	sne.s32 s16, $0x7F80;
	v3 =	vld [tilespmem:s15+$0x110];
	_ =	sdelay $0x3  }
0x20: {  	v2 =	vsub.f32 v2, v0  }
.Ltmp0:
0x21: {  	v3 =	vsub.f32 v3, v1;
	(pc) =	sbr.rel @p0 .LBB2_2-.Ltmp0, $4  }
0x22: {  	s17 =	sshra.s32 s16, $0x2;
	v2 =	vadd.f32 v2, v0  }
0x23: {  	v0 =	vld [tilespmem:s17+$0x2100];
	v3 =	vadd.f32 v3, v1  }
0x24: {  	v1 =	vld [tilespmem:s17+$0x2110];
	[tilespmem:s15+$0x100] =	vst v2  }
0x25: {  	s16 =	sadd.s32 $0x80, s16;
	v2 =	vld [tilespmem:s17+$0x100];
	[tilespmem:s15+$0x110] =	vst v3;
	s15 =	smov.u32 s17  }
0x26: {  	v3 =	vld [tilespmem:s15+$0x110];
	_ =	sdelay $0x3  }
0x27: {  	v2 =	vsub.f32 v2, v0  }
0x28: {  	v3 =	vsub.f32 v3, v1  }
0x29: {  	v0 =	vadd.f32 v2, v0  }
0x2a: {  	s14 =	sadd.s32 $0x1, s14;
	v1 =	vadd.f32 v3, v1  }
0x2b: {  	p0 =	sne.s32 s14, s7;
	[tilespmem:s15+$0x100] =	vst v0  }
.Ltmp1:
0x2c: {  	[tilespmem:s15+$0x110] =	vst v1;
	(pc) =	sbr.rel @p0 .LBB2_1-.Ltmp1, $4  }
0x2d: {  	[hbm4b:s6+s3] =	stream.linear.scatter [tilespmem:s11], [sflag:$0x2], $0x2000, $0x38;
	[tilespmem:$0x4100] =	vst v63  }
0x2e: {  	_ =	swait.ge [sflag:s8], $0x2000  }
0x2f: {  	[sflag:s8] =	ssyncset.done $0x0  }
0x30: {  	[sflag:s8] =	ssyncadd.s32 $0xFFFFE000  }
0x31: {  	_ =	sfence.sel $0x180000  }
0x32: {  	[bflag:$0x0] =	sbarrier.arrive $0xFFFF  }
0x33: {  	p0 =	sne.s32 s2, $0x0;
	_ =	strace $0x90000047  }
0x34: {  	s0 =	sadd.s32 @!p0 $0x100000, s0;
	[bflag:$0x2] =	sbarrier.arrive $0xFFFF  }
0x35: {  	[sflag:s0] =	ssyncadd.tile.s32 @!p0 $0x1;
	_ =	shalt  }
.Lfunc_end2:
_tile_overlayer_lowered:
.L_overlay_start_2:
0x36: {  	(tag) =	ssettag $0x2  }
0x37: {  	s0 =	rddreg [dreg:$0x0];
	s2 =	stileid.u32  }
0x38: {  	s1 =	rddreg [dreg:$0x1];
	p0 =	sne.s32 s2, $0x0  }
0x39: {  	s3 =	rddreg [dreg:$0x2];
	[bflag:$0x3] =	sbarrier.arrive $0xFFFF;
	s2 =	simm.s32 @!p0 $0x1C02  }
0x3a: {  	[timem:s3], [sflag:s2] =	dma.local @!p0 [hbm:s0], s1  }
0x3b: {  	s0 =	simm.s32 @!p0 $0x2  }
0x3c: {  	_ =	swait.ge @!p0 [sflag:s0], s1  }
0x3d: {  	s1 =	ssub.s32 @!p0 $0x0, s1;
	[sflag:s0] =	ssyncset.done @!p0 $0x0  }
0x3e: {  	[sflag:s0] =	ssyncadd.s32 @!p0 s1  }
0x3f: {  	[bflag:$0x3] =	sbarrier.arrive $0xFFFF  }
0x40: {  	_ =	shalt  }

</sc_bundles>
